<compile_context>
chip_gen: v7x
topology: tpu7x:2x2x1
jax: 0.10.2.dev20260603
libtpu: 0.0.44.dev20260713+nightly
codegen_flags: <defaults>
</compile_context>

<pallas_src>
import functools

import jax
import jax.numpy as jnp
from jax import lax
from jax.experimental import pallas as pl
from jax.experimental.pallas import tpu as pltpu
from jax.experimental.pallas import tpu_sc as plsc


def kernel(idx, table):
    B, = idx.shape
    V, D = table.shape

    info = plsc.get_sparse_core_info()
    NC, NS, L = info.num_cores, info.num_subcores, info.num_lanes
    NW = NC * NS
    b_per_w = B // NW
    U = 4
    Vp = (V + 7) // 8 * 8

    mesh = plsc.VectorSubcoreMesh(core_axis_name="c", subcore_axis_name="s")

    @functools.partial(
        pl.kernel,
        mesh=mesh,
        out_type=jax.ShapeDtypeStruct((B, D), jnp.float32),
        scratch_types=[
            pltpu.SMEM((b_per_w,), jnp.int32),
            pltpu.VMEM((Vp, D), jnp.float32),
            pltpu.VMEM_SHARED((Vp, D), jnp.float32),
            pltpu.VMEM_SHARED((B,), jnp.int32),
            pltpu.SemaphoreType.DMA,
        ],
    )
    def gather_kernel(idx_hbm, table_hbm, out_hbm, idx_m, table_v,
                      table_s, idx_s, sem):
        sid = lax.axis_index("s")
        wid = sid * NC + lax.axis_index("c")
        base = wid * b_per_w

        @pl.when(sid == 0)
        def _stage_shared():
            pltpu.sync_copy(table_hbm, table_s)
            pltpu.sync_copy(idx_hbm, idx_s)

        plsc.subcore_barrier()
        pltpu.sync_copy(table_s, table_v)
        pltpu.sync_copy(idx_s.at[pl.ds(base, b_per_w)], idx_m)

        def body(g, carry):
            i0 = g * U
            for u in range(U):
                row = idx_m[i0 + u]
                pltpu.async_copy(
                    table_v.at[row], out_hbm.at[base + i0 + u], sem)
            return carry

        lax.fori_loop(0, b_per_w // U, body, 0)

        for _ in range(b_per_w // 128):
            pltpu.make_async_copy(
                table_v.at[pl.ds(0, 128)],
                out_hbm.at[pl.ds(base, 128)], sem).wait()

    table_p = jnp.pad(table, ((0, Vp - V), (0, 0)))
    return gather_kernel(idx.astype(jnp.int32), table_p)

# --- scband reference (transcript-rebuilt; emitter-appended) ---
"""Pipeline reference for scband-keypoint-text-encoder-62560493633565 (READ-ONLY COPY).

The authoritative reference and input builder live on the scoring server;
editing this copy changes nothing except your own understanding.
"""

import jax, jax.numpy as jnp
import numpy as np

VOCAB = 133
DIM = 768
BATCH = 16384

def setup_inputs(seed: int = 0) -> dict:
    key = jax.random.key(seed)
    k_idx, k_tab = jax.random.split(key)
    idx = jax.random.randint(k_idx, (BATCH,), 0, VOCAB, dtype=jnp.int64 if jax.config.read('jax_enable_x64') else jnp.int32)
    table = jax.random.normal(k_tab, (VOCAB, DIM), dtype=jnp.float32)
    return {"idx": idx, "table": table}

def reference(idx, table):
    # Faithful translation of KeypointTextEncoder.forward:
    # the string->index map is precomputed; the forward is a pure embedding gather.
    return jnp.take(table, idx, axis=0)

if __name__ == "__main__":
    import jax
    _d = setup_inputs()
    print(jax.jit(kernel)(*tuple(_d.values())))

</pallas_src>

<mosaic_0001>
#map = affine_map<(d0, d1) -> (0)>
#map1 = affine_map<(d0, d1) -> (0, 0)>
module attributes {stable_mosaic.version = 14 : i64} {
  func.func @gather_kernel(%arg0: i32, %arg1: i32, %arg2: memref<16384xi32, #tpu.memory_space<hbm>>, %arg3: memref<136x768xf32, #tpu.memory_space<hbm>>, %arg4: memref<16384x768xf32, #tpu.memory_space<hbm>>, %arg5: memref<512xi32, #tpu.memory_space<smem>>, %arg6: memref<136x768xf32, #tpu.memory_space<vmem>>, %arg7: memref<136x768xf32, #tpu.memory_space<vmem_shared>>, %arg8: memref<16384xi32, #tpu.memory_space<vmem_shared>>, %arg9: memref<!tpu.dma_semaphore, #tpu.memory_space<semaphore_mem>>) attributes {dimension_semantics = [#tpu.dimension_semantics<core_parallel>, #tpu.dimension_semantics<subcore_parallel>], iteration_bounds = array<i64: 2, 16>, scalar_prefetch = 0 : i64, scratch_operands = 5 : i64, tpu.core_type = #tpu.core_type<sc_vector_subcore>, window_params = [{transform_indices = #map}, {transform_indices = #map1}, {transform_indices = #map1}]} {
    %mul3A = arith.constant 2 : i32
    %mul3A_0 = arith.muli %arg1, %mul3A : i32
    %add3A = arith.addi %mul3A_0, %arg0 : i32
    %mul3A_1 = arith.constant 512 : i32
    %mul3A_2 = arith.muli %add3A, %mul3A_1 : i32
    %eq3A = arith.constant 0 : i32
    %eq3A_3 = arith.cmpi eq, %arg1, %eq3A : i32
    %convert_element_type3A = arith.extui %eq3A_3 : i1 to i32
    %cond3A = arith.constant 0 : i32
    %cond3A_4 = arith.cmpi ne, %convert_element_type3A, %cond3A : i32
    scf.if %cond3A_4 {
      "tpu.region"() ({
        %run_scoped3A = tpu.sem_alloc : memref<!tpu.dma_semaphore, #tpu.memory_space<semaphore_mem>>
        tpu.enqueue_dma source(%arg3 : memref<136x768xf32, #tpu.memory_space<hbm>>) target(%arg7 : memref<136x768xf32, #tpu.memory_space<vmem_shared>>) target_semaphore(%run_scoped3A : memref<!tpu.dma_semaphore, #tpu.memory_space<semaphore_mem>>)
        tpu.wait_dma2 semaphore(%run_scoped3A : memref<!tpu.dma_semaphore, #tpu.memory_space<semaphore_mem>>) src(%arg3 : memref<136x768xf32, #tpu.memory_space<hbm>>) dst(%arg7 : memref<136x768xf32, #tpu.memory_space<vmem_shared>>)
        tpu.yield
      }) : () -> ()
      "tpu.region"() ({
        %run_scoped3A = tpu.sem_alloc : memref<!tpu.dma_semaphore, #tpu.memory_space<semaphore_mem>>
        tpu.enqueue_dma source(%arg2 : memref<16384xi32, #tpu.memory_space<hbm>>) target(%arg8 : memref<16384xi32, #tpu.memory_space<vmem_shared>>) target_semaphore(%run_scoped3A : memref<!tpu.dma_semaphore, #tpu.memory_space<semaphore_mem>>)
        tpu.wait_dma2 semaphore(%run_scoped3A : memref<!tpu.dma_semaphore, #tpu.memory_space<semaphore_mem>>) src(%arg2 : memref<16384xi32, #tpu.memory_space<hbm>>) dst(%arg8 : memref<16384xi32, #tpu.memory_space<vmem_shared>>)
        tpu.yield
      }) : () -> ()
    } else {
    }
    %barrier3A = arith.constant 0 : index
    tpu.barrier barrier_id(%barrier3A)
    "tpu.region"() ({
      %run_scoped3A = tpu.sem_alloc : memref<!tpu.dma_semaphore, #tpu.memory_space<semaphore_mem>>
      tpu.enqueue_dma source(%arg7 : memref<136x768xf32, #tpu.memory_space<vmem_shared>>) target(%arg6 : memref<136x768xf32, #tpu.memory_space<vmem>>) target_semaphore(%run_scoped3A : memref<!tpu.dma_semaphore, #tpu.memory_space<semaphore_mem>>)
      tpu.wait_dma2 semaphore(%run_scoped3A : memref<!tpu.dma_semaphore, #tpu.memory_space<semaphore_mem>>) src(%arg7 : memref<136x768xf32, #tpu.memory_space<vmem_shared>>) dst(%arg6 : memref<136x768xf32, #tpu.memory_space<vmem>>)
      tpu.yield
    }) : () -> ()
    "tpu.region"() ({
      %run_scoped3A = tpu.sem_alloc : memref<!tpu.dma_semaphore, #tpu.memory_space<semaphore_mem>>
      %dma_start3A = tpu.memref_slice %arg8[%mul3A_2] : memref<16384xi32, #tpu.memory_space<vmem_shared>> -> memref<512xi32, #tpu.memory_space<vmem_shared>>
      tpu.enqueue_dma source(%dma_start3A : memref<512xi32, #tpu.memory_space<vmem_shared>>) target(%arg5 : memref<512xi32, #tpu.memory_space<smem>>) target_semaphore(%run_scoped3A : memref<!tpu.dma_semaphore, #tpu.memory_space<semaphore_mem>>)
      %dma_wait3A_49 = tpu.memref_slice %arg8[%mul3A_2] : memref<16384xi32, #tpu.memory_space<vmem_shared>> -> memref<512xi32, #tpu.memory_space<vmem_shared>>
      tpu.wait_dma2 semaphore(%run_scoped3A : memref<!tpu.dma_semaphore, #tpu.memory_space<semaphore_mem>>) src(%dma_wait3A_49 : memref<512xi32, #tpu.memory_space<vmem_shared>>) dst(%arg5 : memref<512xi32, #tpu.memory_space<smem>>)
      tpu.yield
    }) : () -> ()
    %scan3A = arith.constant 0 : i32
    %scan3A_5 = arith.constant 0 : i32
    %scan3A_6 = arith.constant 128 : i32
    %scan3A_7 = arith.addi %scan3A_5, %scan3A_6 : i32
    %scan3A_8 = arith.constant 1 : i32
    scf.for %scan3A_49 = %scan3A_5 to %scan3A_7 step %scan3A_8  : i32 {
      %mul3A_50 = arith.constant 4 : i32
      %mul3A_51 = arith.muli %scan3A_49, %mul3A_50 : i32
      %add3A_52 = arith.constant 0 : i32
      %add3A_53 = arith.addi %mul3A_51, %add3A_52 : i32
      %get3A = arith.index_cast %add3A_53 : i32 to index
      %get3A_54 = memref.load %arg5[%get3A] : memref<512xi32, #tpu.memory_space<smem>>
      %add3A_55 = arith.addi %mul3A_2, %mul3A_51 : i32
      %add3A_56 = arith.constant 0 : i32
      %add3A_57 = arith.addi %add3A_55, %add3A_56 : i32
      %dma_start3A = arith.constant 0 : i32
      %dma_start3A_58 = tpu.memref_slice %arg6[%get3A_54, %dma_start3A] : memref<136x768xf32, #tpu.memory_space<vmem>> -> memref<1x768xf32, #tpu.memory_space<vmem>>
      %dma_start3A_59 = tpu.memref_squeeze %dma_start3A_58 : memref<1x768xf32, #tpu.memory_space<vmem>> -> memref<768xf32, #tpu.memory_space<vmem>>
      %dma_start3A_60 = arith.constant 0 : i32
      %dma_start3A_61 = tpu.memref_slice %arg4[%add3A_57, %dma_start3A_60] : memref<16384x768xf32, #tpu.memory_space<hbm>> -> memref<1x768xf32, #tpu.memory_space<hbm>>
      %dma_start3A_62 = tpu.memref_squeeze %dma_start3A_61 : memref<1x768xf32, #tpu.memory_space<hbm>> -> memref<768xf32, #tpu.memory_space<hbm>>
      %dma_start3A_63 = arith.constant 0 : i32
      %dma_start3A_64 = tpu.memref_slice %arg4[%add3A_57, %dma_start3A_63] : memref<16384x768xf32, #tpu.memory_space<hbm>> -> memref<1x768xf32, #tpu.memory_space<hbm>>
      %dma_start3A_65 = tpu.memref_squeeze %dma_start3A_64 : memref<1x768xf32, #tpu.memory_space<hbm>> -> memref<768xf32, #tpu.memory_space<hbm>>
      %dma_start3A_66 = arith.constant 0 : i32
      %dma_start3A_67 = tpu.memref_slice %arg6[%get3A_54, %dma_start3A_66] : memref<136x768xf32, #tpu.memory_space<vmem>> -> memref<1x768xf32, #tpu.memory_space<vmem>>
      %dma_start3A_68 = tpu.memref_squeeze %dma_start3A_67 : memref<1x768xf32, #tpu.memory_space<vmem>> -> memref<768xf32, #tpu.memory_space<vmem>>
      tpu.enqueue_dma source(%dma_start3A_68 : memref<768xf32, #tpu.memory_space<vmem>>) target(%dma_start3A_65 : memref<768xf32, #tpu.memory_space<hbm>>) target_semaphore(%arg9 : memref<!tpu.dma_semaphore, #tpu.memory_space<semaphore_mem>>)
      %add3A_69 = arith.constant 1 : i32
      %add3A_70 = arith.addi %mul3A_51, %add3A_69 : i32
      %get3A_71 = arith.index_cast %add3A_70 : i32 to index
      %get3A_72 = memref.load %arg5[%get3A_71] : memref<512xi32, #tpu.memory_space<smem>>
      %add3A_73 = arith.addi %mul3A_2, %mul3A_51 : i32
      %add3A_74 = arith.constant 1 : i32
      %add3A_75 = arith.addi %add3A_73, %add3A_74 : i32
      %dma_start3A_76 = arith.constant 0 : i32
      %dma_start3A_77 = tpu.memref_slice %arg6[%get3A_72, %dma_start3A_76] : memref<136x768xf32, #tpu.memory_space<vmem>> -> memref<1x768xf32, #tpu.memory_space<vmem>>
      %dma_start3A_78 = tpu.memref_squeeze %dma_start3A_77 : memref<1x768xf32, #tpu.memory_space<vmem>> -> memref<768xf32, #tpu.memory_space<vmem>>
      %dma_start3A_79 = arith.constant 0 : i32
      %dma_start3A_80 = tpu.memref_slice %arg4[%add3A_75, %dma_start3A_79] : memref<16384x768xf32, #tpu.memory_space<hbm>> -> memref<1x768xf32, #tpu.memory_space<hbm>>
      %dma_start3A_81 = tpu.memref_squeeze %dma_start3A_80 : memref<1x768xf32, #tpu.memory_space<hbm>> -> memref<768xf32, #tpu.memory_space<hbm>>
      %dma_start3A_82 = arith.constant 0 : i32
      %dma_start3A_83 = tpu.memref_slice %arg4[%add3A_75, %dma_start3A_82] : memref<16384x768xf32, #tpu.memory_space<hbm>> -> memref<1x768xf32, #tpu.memory_space<hbm>>
      %dma_start3A_84 = tpu.memref_squeeze %dma_start3A_83 : memref<1x768xf32, #tpu.memory_space<hbm>> -> memref<768xf32, #tpu.memory_space<hbm>>
      %dma_start3A_85 = arith.constant 0 : i32
      %dma_start3A_86 = tpu.memref_slice %arg6[%get3A_72, %dma_start3A_85] : memref<136x768xf32, #tpu.memory_space<vmem>> -> memref<1x768xf32, #tpu.memory_space<vmem>>
      %dma_start3A_87 = tpu.memref_squeeze %dma_start3A_86 : memref<1x768xf32, #tpu.memory_space<vmem>> -> memref<768xf32, #tpu.memory_space<vmem>>
      tpu.enqueue_dma source(%dma_start3A_87 : memref<768xf32, #tpu.memory_space<vmem>>) target(%dma_start3A_84 : memref<768xf32, #tpu.memory_space<hbm>>) target_semaphore(%arg9 : memref<!tpu.dma_semaphore, #tpu.memory_space<semaphore_mem>>)
      %add3A_88 = arith.constant 2 : i32
      %add3A_89 = arith.addi %mul3A_51, %add3A_88 : i32
      %get3A_90 = arith.index_cast %add3A_89 : i32 to index
      %get3A_91 = memref.load %arg5[%get3A_90] : memref<512xi32, #tpu.memory_space<smem>>
      %add3A_92 = arith.addi %mul3A_2, %mul3A_51 : i32
      %add3A_93 = arith.constant 2 : i32
      %add3A_94 = arith.addi %add3A_92, %add3A_93 : i32
      %dma_start3A_95 = arith.constant 0 : i32
      %dma_start3A_96 = tpu.memref_slice %arg6[%get3A_91, %dma_start3A_95] : memref<136x768xf32, #tpu.memory_space<vmem>> -> memref<1x768xf32, #tpu.memory_space<vmem>>
      %dma_start3A_97 = tpu.memref_squeeze %dma_start3A_96 : memref<1x768xf32, #tpu.memory_space<vmem>> -> memref<768xf32, #tpu.memory_space<vmem>>
      %dma_start3A_98 = arith.constant 0 : i32
      %dma_start3A_99 = tpu.memref_slice %arg4[%add3A_94, %dma_start3A_98] : memref<16384x768xf32, #tpu.memory_space<hbm>> -> memref<1x768xf32, #tpu.memory_space<hbm>>
      %dma_start3A_100 = tpu.memref_squeeze %dma_start3A_99 : memref<1x768xf32, #tpu.memory_space<hbm>> -> memref<768xf32, #tpu.memory_space<hbm>>
      %dma_start3A_101 = arith.constant 0 : i32
      %dma_start3A_102 = tpu.memref_slice %arg4[%add3A_94, %dma_start3A_101] : memref<16384x768xf32, #tpu.memory_space<hbm>> -> memref<1x768xf32, #tpu.memory_space<hbm>>
      %dma_start3A_103 = tpu.memref_squeeze %dma_start3A_102 : memref<1x768xf32, #tpu.memory_space<hbm>> -> memref<768xf32, #tpu.memory_space<hbm>>
      %dma_start3A_104 = arith.constant 0 : i32
      %dma_start3A_105 = tpu.memref_slice %arg6[%get3A_91, %dma_start3A_104] : memref<136x768xf32, #tpu.memory_space<vmem>> -> memref<1x768xf32, #tpu.memory_space<vmem>>
      %dma_start3A_106 = tpu.memref_squeeze %dma_start3A_105 : memref<1x768xf32, #tpu.memory_space<vmem>> -> memref<768xf32, #tpu.memory_space<vmem>>
      tpu.enqueue_dma source(%dma_start3A_106 : memref<768xf32, #tpu.memory_space<vmem>>) target(%dma_start3A_103 : memref<768xf32, #tpu.memory_space<hbm>>) target_semaphore(%arg9 : memref<!tpu.dma_semaphore, #tpu.memory_space<semaphore_mem>>)
      %add3A_107 = arith.constant 3 : i32
      %add3A_108 = arith.addi %mul3A_51, %add3A_107 : i32
      %get3A_109 = arith.index_cast %add3A_108 : i32 to index
      %get3A_110 = memref.load %arg5[%get3A_109] : memref<512xi32, #tpu.memory_space<smem>>
      %add3A_111 = arith.addi %mul3A_2, %mul3A_51 : i32
      %add3A_112 = arith.constant 3 : i32
      %add3A_113 = arith.addi %add3A_111, %add3A_112 : i32
      %dma_start3A_114 = arith.constant 0 : i32
      %dma_start3A_115 = tpu.memref_slice %arg6[%get3A_110, %dma_start3A_114] : memref<136x768xf32, #tpu.memory_space<vmem>> -> memref<1x768xf32, #tpu.memory_space<vmem>>
      %dma_start3A_116 = tpu.memref_squeeze %dma_start3A_115 : memref<1x768xf32, #tpu.memory_space<vmem>> -> memref<768xf32, #tpu.memory_space<vmem>>
      %dma_start3A_117 = arith.constant 0 : i32
      %dma_start3A_118 = tpu.memref_slice %arg4[%add3A_113, %dma_start3A_117] : memref<16384x768xf32, #tpu.memory_space<hbm>> -> memref<1x768xf32, #tpu.memory_space<hbm>>
      %dma_start3A_119 = tpu.memref_squeeze %dma_start3A_118 : memref<1x768xf32, #tpu.memory_space<hbm>> -> memref<768xf32, #tpu.memory_space<hbm>>
      %dma_start3A_120 = arith.constant 0 : i32
      %dma_start3A_121 = tpu.memref_slice %arg4[%add3A_113, %dma_start3A_120] : memref<16384x768xf32, #tpu.memory_space<hbm>> -> memref<1x768xf32, #tpu.memory_space<hbm>>
      %dma_start3A_122 = tpu.memref_squeeze %dma_start3A_121 : memref<1x768xf32, #tpu.memory_space<hbm>> -> memref<768xf32, #tpu.memory_space<hbm>>
      %dma_start3A_123 = arith.constant 0 : i32
      %dma_start3A_124 = tpu.memref_slice %arg6[%get3A_110, %dma_start3A_123] : memref<136x768xf32, #tpu.memory_space<vmem>> -> memref<1x768xf32, #tpu.memory_space<vmem>>
      %dma_start3A_125 = tpu.memref_squeeze %dma_start3A_124 : memref<1x768xf32, #tpu.memory_space<vmem>> -> memref<768xf32, #tpu.memory_space<vmem>>
      tpu.enqueue_dma source(%dma_start3A_125 : memref<768xf32, #tpu.memory_space<vmem>>) target(%dma_start3A_122 : memref<768xf32, #tpu.memory_space<hbm>>) target_semaphore(%arg9 : memref<!tpu.dma_semaphore, #tpu.memory_space<semaphore_mem>>)
    }
    %scan3A_9 = arith.constant 128 : i32
    %dma_wait3A = arith.constant 0 : i32
    %dma_wait3A_10 = arith.constant 0 : i32
    %dma_wait3A_11 = tpu.memref_slice %arg6[%dma_wait3A, %dma_wait3A_10] : memref<136x768xf32, #tpu.memory_space<vmem>> -> memref<128x768xf32, #tpu.memory_space<vmem>>
    %dma_wait3A_12 = arith.constant 0 : i32
    %dma_wait3A_13 = tpu.memref_slice %arg4[%mul3A_2, %dma_wait3A_12] : memref<16384x768xf32, #tpu.memory_space<hbm>> -> memref<128x768xf32, #tpu.memory_space<hbm>>
    %dma_wait3A_14 = arith.constant 0 : i32
    %dma_wait3A_15 = tpu.memref_slice %arg4[%mul3A_2, %dma_wait3A_14] : memref<16384x768xf32, #tpu.memory_space<hbm>> -> memref<128x768xf32, #tpu.memory_space<hbm>>
    %dma_wait3A_16 = arith.constant 0 : i32
    %dma_wait3A_17 = arith.constant 0 : i32
    %dma_wait3A_18 = tpu.memref_slice %arg6[%dma_wait3A_16, %dma_wait3A_17] : memref<136x768xf32, #tpu.memory_space<vmem>> -> memref<128x768xf32, #tpu.memory_space<vmem>>
    tpu.wait_dma2 semaphore(%arg9 : memref<!tpu.dma_semaphore, #tpu.memory_space<semaphore_mem>>) src(%dma_wait3A_18 : memref<128x768xf32, #tpu.memory_space<vmem>>) dst(%dma_wait3A_15 : memref<128x768xf32, #tpu.memory_space<hbm>>)
    %dma_wait3A_19 = arith.constant 0 : i32
    %dma_wait3A_20 = arith.constant 0 : i32
    %dma_wait3A_21 = tpu.memref_slice %arg6[%dma_wait3A_19, %dma_wait3A_20] : memref<136x768xf32, #tpu.memory_space<vmem>> -> memref<128x768xf32, #tpu.memory_space<vmem>>
    %dma_wait3A_22 = arith.constant 0 : i32
    %dma_wait3A_23 = tpu.memref_slice %arg4[%mul3A_2, %dma_wait3A_22] : memref<16384x768xf32, #tpu.memory_space<hbm>> -> memref<128x768xf32, #tpu.memory_space<hbm>>
    %dma_wait3A_24 = arith.constant 0 : i32
    %dma_wait3A_25 = tpu.memref_slice %arg4[%mul3A_2, %dma_wait3A_24] : memref<16384x768xf32, #tpu.memory_space<hbm>> -> memref<128x768xf32, #tpu.memory_space<hbm>>
    %dma_wait3A_26 = arith.constant 0 : i32
    %dma_wait3A_27 = arith.constant 0 : i32
    %dma_wait3A_28 = tpu.memref_slice %arg6[%dma_wait3A_26, %dma_wait3A_27] : memref<136x768xf32, #tpu.memory_space<vmem>> -> memref<128x768xf32, #tpu.memory_space<vmem>>
    tpu.wait_dma2 semaphore(%arg9 : memref<!tpu.dma_semaphore, #tpu.memory_space<semaphore_mem>>) src(%dma_wait3A_28 : memref<128x768xf32, #tpu.memory_space<vmem>>) dst(%dma_wait3A_25 : memref<128x768xf32, #tpu.memory_space<hbm>>)
    %dma_wait3A_29 = arith.constant 0 : i32
    %dma_wait3A_30 = arith.constant 0 : i32
    %dma_wait3A_31 = tpu.memref_slice %arg6[%dma_wait3A_29, %dma_wait3A_30] : memref<136x768xf32, #tpu.memory_space<vmem>> -> memref<128x768xf32, #tpu.memory_space<vmem>>
    %dma_wait3A_32 = arith.constant 0 : i32
    %dma_wait3A_33 = tpu.memref_slice %arg4[%mul3A_2, %dma_wait3A_32] : memref<16384x768xf32, #tpu.memory_space<hbm>> -> memref<128x768xf32, #tpu.memory_space<hbm>>
    %dma_wait3A_34 = arith.constant 0 : i32
    %dma_wait3A_35 = tpu.memref_slice %arg4[%mul3A_2, %dma_wait3A_34] : memref<16384x768xf32, #tpu.memory_space<hbm>> -> memref<128x768xf32, #tpu.memory_space<hbm>>
    %dma_wait3A_36 = arith.constant 0 : i32
    %dma_wait3A_37 = arith.constant 0 : i32
    %dma_wait3A_38 = tpu.memref_slice %arg6[%dma_wait3A_36, %dma_wait3A_37] : memref<136x768xf32, #tpu.memory_space<vmem>> -> memref<128x768xf32, #tpu.memory_space<vmem>>
    tpu.wait_dma2 semaphore(%arg9 : memref<!tpu.dma_semaphore, #tpu.memory_space<semaphore_mem>>) src(%dma_wait3A_38 : memref<128x768xf32, #tpu.memory_space<vmem>>) dst(%dma_wait3A_35 : memref<128x768xf32, #tpu.memory_space<hbm>>)
    %dma_wait3A_39 = arith.constant 0 : i32
    %dma_wait3A_40 = arith.constant 0 : i32
    %dma_wait3A_41 = tpu.memref_slice %arg6[%dma_wait3A_39, %dma_wait3A_40] : memref<136x768xf32, #tpu.memory_space<vmem>> -> memref<128x768xf32, #tpu.memory_space<vmem>>
    %dma_wait3A_42 = arith.constant 0 : i32
    %dma_wait3A_43 = tpu.memref_slice %arg4[%mul3A_2, %dma_wait3A_42] : memref<16384x768xf32, #tpu.memory_space<hbm>> -> memref<128x768xf32, #tpu.memory_space<hbm>>
    %dma_wait3A_44 = arith.constant 0 : i32
    %dma_wait3A_45 = tpu.memref_slice %arg4[%mul3A_2, %dma_wait3A_44] : memref<16384x768xf32, #tpu.memory_space<hbm>> -> memref<128x768xf32, #tpu.memory_space<hbm>>
    %dma_wait3A_46 = arith.constant 0 : i32
    %dma_wait3A_47 = arith.constant 0 : i32
    %dma_wait3A_48 = tpu.memref_slice %arg6[%dma_wait3A_46, %dma_wait3A_47] : memref<136x768xf32, #tpu.memory_space<vmem>> -> memref<128x768xf32, #tpu.memory_space<vmem>>
    tpu.wait_dma2 semaphore(%arg9 : memref<!tpu.dma_semaphore, #tpu.memory_space<semaphore_mem>>) src(%dma_wait3A_48 : memref<128x768xf32, #tpu.memory_space<vmem>>) dst(%dma_wait3A_45 : memref<128x768xf32, #tpu.memory_space<hbm>>)
    return
  }
}

</mosaic_0001>

<sc_bundles>
// kernel: kernel.3.cloned.1.call-start
scs
__scs_entry_jumppad:
0x0: {  	(pc) =	sbr.rel $0x88, $3  }
0x1: {  	(tag) =	ssettag $0x0;
	lr =	simm.s32 $0x1  }
0x2: {  	[smem:$0x3F9F] =	sst lr;
	_ =	strace $0xD0000000  }
0x3: {  	_ = 	snop  }
0x4: {  	_ = 	snop  }
0x5: {  	_ = 	snop  }
0x6: {  	_ = 	snop  }
0x7: {  	_ = 	snop  }
__scs_overlays_trampoline_lowered:
0x8: {  	[smem:$0x3FAE] =	sst s0  }
0x9: {  	[smem:$0x3FAF] =	sst s1  }
0xa: {  	[smem:$0x3FB0] =	sst s2  }
0xb: {  	[smem:$0x3FB1] =	sst s3  }
0xc: {  	[smem:$0x3FB2] =	sst s4  }
0xd: {  	[smem:$0x3FB3] =	sst s5  }
0xe: {  	[smem:$0x3FB4] =	sst s6  }
0xf: {  	[smem:$0x3FB5] =	sst s7  }
0x10: {  	[smem:$0x3FB6] =	sst s8  }
0x11: {  	[smem:$0x3FB7] =	sst s9;
	s0 =	simm.s32 @!p0 $0x0  }
0x12: {  	s1 =	sld [smem:$0x3F9D];
	s0 =	simm.s32 @p0 $0x1  }
0x13: {  	[smem:$0x3FB8] =	sst s0;
	s0 =	simm.s32 @!p1 $0x0  }
0x14: {  	s2 =	sld [smem:$0x3F9C];
	s0 =	simm.s32 @p1 $0x1  }
0x15: {  	[smem:$0x3FB9] =	sst s0;
	s0 =	simm.s32 @!p2 $0x0  }
0x16: {  	s3 =	sld [smem:$0x3FDB];
	s0 =	simm.s32 @p2 $0x1  }
0x17: {  	s4 =	simm.s32 $0x1BF5;
	[smem:$0x3FBB] =	sst s0  }
0x18: {  	s0 =	sld [smem:$0x3F9E];
	_ =	swait.ge [sflag:s4], $0x0  }
0x19: {  	s7 =	sld [smem:$0x3F9F]  }
0x1a: {  	s8 =	sadd.s32 $0xFFFFE003, lr  }
0x1b: {  	s9 =	sadd.s32 $0xFFFFFEF7, lr;
	s5 =	simm.s32 $0xFFFFFFFF;
	p2 =	slt.u32 s8, $0xFFFFF086  }
0x1c: {  	p1 =	slt.u32 s9, $0xF7A;
	s5 =	simm.s32 @!p2 $0x0  }
0x1d: {  	s5 =	simm.s32 @p1 $0x1;
	p0 =	seq.s32 s7, s2  }
0x1e: {  	s7 =	smul.u32 @!p0 $0xF7A, s2;
	p2 =	seq.s32 @!p0 s5, $0x0  }
0x1f: {  	s9 =	smul.u32 $0xF7A, s1;
	s8 =	simm.s32 @!p0 $0x1BF5;
	p2 =	por !p2, p0  }
0x20: {  	[sflag:s8] =	ssyncset.s32 @!p0 $0xFFFFF086;
	s6 =	sadd.s32 @!p0 s3, s7;
	s7 =	simm.s32 @!p0 $0x108  }
0x21: {  	s3 =	sadd.s32 s3, s9;
	s6 =	sadd.s32 @!p0 $0x88, s6;
	s7 =	simm.s32 @p2 $0x1082  }
0x22: {  	[simem:s7], [sflag:s8] =	dma.local @!p0 [hbm:s6], $0xF7A  }
0x23: {  	s9 =	sor.u32 $0xD0000000, s2;
	s6 =	simm.s32 $0x108;
	_ =	swait.ge @!p0 [sflag:s8], $0x0  }
0x24: {  	s3 =	sadd.s32 $0x88, s3;
	s6 =	simm.s32 @!p1 $0x1082;
	[sflag:s4] =	ssyncset.s32 $0xFFFFF086  }
0x25: {  	[simem:s6], [sflag:s4] =	dma.local [hbm:s3], $0xF7A  }
0x26: {  	[smem:$0x3F9F] =	sst s1;
	(tag) =	ssettag s2;
	_ =	strace s9  }
0x27: {  	s1 =	sld [smem:$0x3FAF]  }
0x28: {  	s2 =	sld [smem:$0x3FB0]  }
0x29: {  	s4 =	sld [smem:$0x3FB2]  }
0x2a: {  	p0 =	seq.s32 s5, $0x0;
	s5 =	sld [smem:$0x3FB3]  }
0x2b: {  	s6 =	sld [smem:$0x3FB4]  }
0x2c: {  	s7 =	sld [smem:$0x3FB5]  }
0x2d: {  	s3 =	simm.s32 $0x108;
	s8 =	sld [smem:$0x3FB6]  }
0x2e: {  	s3 =	simm.s32 @!p0 $0x1082;
	s9 =	sld [smem:$0x3FB7]  }
0x2f: {  	lr =	sadd.s32 s0, s3;
	s0 =	sld [smem:$0x3FAE]  }
0x30: {  	s3 =	sld [smem:$0x3FB1]  }
0x31: {  	[smem:$0x3FBA] =	sst s10  }
0x32: {  	s10 =	sld [smem:$0x3FB8];
	_ =	sdelay $0x3  }
0x33: {  	p0 =	seq.s32 s10, $0x1;
	s10 =	sld [smem:$0x3FBA];
	_ =	sdelay $0x3  }
0x34: {  	[smem:$0x3FBA] =	sst s10  }
0x35: {  	s10 =	sld [smem:$0x3FB9];
	_ =	sdelay $0x3  }
0x36: {  	p1 =	seq.s32 s10, $0x1;
	s10 =	sld [smem:$0x3FBA];
	_ =	sdelay $0x3  }
0x37: {  	[smem:$0x3FBA] =	sst s10  }
0x38: {  	s10 =	sld [smem:$0x3FBB]  }
0x39: {  	_ = 	snop;
	(pc) =	sbr.ind lr, $3  }
0x3a: {  	_ = 	snop  }
0x3b: {  	_ = 	snop  }
0x3c: {  	p2 =	seq.s32 s10, $0x1;
	s10 =	sld [smem:$0x3FBA]  }
0x3d: {  	_ =	shalt  }
0x3e: {  	_ =	shalt  }
0x3f: {  	_ =	shalt  }
0x40: {  	_ =	shalt  }
0x41: {  	_ =	shalt  }
0x42: {  	_ =	shalt  }
0x43: {  	_ =	shalt  }
0x44: {  	_ =	shalt  }
0x45: {  	_ =	shalt  }
0x46: {  	_ =	shalt  }
0x47: {  	_ =	shalt  }
0x48: {  	_ =	shalt  }
0x49: {  	_ =	shalt  }
0x4a: {  	_ =	shalt  }
0x4b: {  	_ =	shalt  }
0x4c: {  	_ =	shalt  }
0x4d: {  	_ =	shalt  }
0x4e: {  	_ =	shalt  }
0x4f: {  	_ =	shalt  }
0x50: {  	_ =	shalt  }
0x51: {  	_ =	shalt  }
0x52: {  	_ =	shalt  }
0x53: {  	_ =	shalt  }
0x54: {  	_ =	shalt  }
0x55: {  	_ =	shalt  }
0x56: {  	_ =	shalt  }
0x57: {  	_ =	shalt  }
0x58: {  	_ =	shalt  }
0x59: {  	_ =	shalt  }
0x5a: {  	_ =	shalt  }
0x5b: {  	_ =	shalt  }
0x5c: {  	_ =	shalt  }
0x5d: {  	_ =	shalt  }
0x5e: {  	_ =	shalt  }
0x5f: {  	_ =	shalt  }
0x60: {  	_ =	shalt  }
0x61: {  	_ =	shalt  }
0x62: {  	_ =	shalt  }
0x63: {  	_ =	shalt  }
0x64: {  	_ =	shalt  }
0x65: {  	_ =	shalt  }
0x66: {  	_ =	shalt  }
0x67: {  	_ =	shalt  }
0x68: {  	_ =	shalt  }
0x69: {  	_ =	shalt  }
0x6a: {  	_ =	shalt  }
0x6b: {  	_ =	shalt  }
0x6c: {  	_ =	shalt  }
0x6d: {  	_ =	shalt  }
0x6e: {  	_ =	shalt  }
0x6f: {  	_ =	shalt  }
0x70: {  	_ =	shalt  }
0x71: {  	_ =	shalt  }
0x72: {  	_ =	shalt  }
0x73: {  	_ =	shalt  }
0x74: {  	_ =	shalt  }
0x75: {  	_ =	shalt  }
0x76: {  	_ =	shalt  }
0x77: {  	_ =	shalt  }
0x78: {  	_ =	shalt  }
0x79: {  	_ =	shalt  }
0x7a: {  	_ =	shalt  }
0x7b: {  	_ =	shalt  }
0x7c: {  	_ =	shalt  }
0x7d: {  	_ =	shalt  }
0x7e: {  	_ =	shalt  }
0x7f: {  	_ =	shalt  }
0x80: {  	_ =	shalt  }
0x81: {  	_ =	shalt  }
0x82: {  	_ =	shalt  }
0x83: {  	_ =	shalt  }
0x84: {  	_ =	shalt  }
0x85: {  	_ =	shalt  }
0x86: {  	_ =	shalt  }
0x87: {  	_ =	shalt  }
.Lfunc_end0:
.L_simem_size_0:
called_computation_lowered:
.L_overlay_start_0:
0x88: {  	s2 =	sld [smem:$0x3FD9]  }
0x89: {  	s3 =	sld [smem:$0x3FFE];
	_ =	sdelay $0x1  }
0x8a: {  	s1 =	srdreg.scid  }
0x8b: {  	s0 =	sand.u32 $0x1, s1  }
0x8c: {  	s17 =	sshll.u32 s0, $0xA;
	s2 =	sadd.s32 s3, s2  }
0x8d: {  	s2 =	sadd.s32 s2, s17  }
0x8e: {  	[smem:$0x3FC6] =	sst s2  }
0x8f: {  	_ = 	snop  }
0x90: {  	s2 =	sld [smem:$0x3FC9]  }
0x91: {  	s18 =	sld [smem:$0x3FD0];
	(tm) =	ssettm $0x1  }
0x92: {  	s4 =	sld [smem:$0x3FFB];
	_ =	sdelay $0x3  }
0x93: {  	_ =	strace s4  }
0x94: {  	s4 =	sld [smem:$0x3FFC];
	_ =	sdelay $0x3  }
0x95: {  	_ =	strace s4  }
0x96: {  	s4 =	sld [smem:$0x3FFD];
	_ =	sdelay $0x3  }
0x97: {  	_ =	strace s4  }
0x98: {  	_ =	strace $0x8FFFFFFF  }
0x99: {  	s19 =	sld [smem:$0x3FDB];
	_ =	sdelay $0x1  }
0x9a: {  	s5 =	simm.s32 $_scs_section_size  }
0x9b: {  	s6 =	simm.s32 $_size__tile_overlayer_lowered;
	s7 =	simm.s32 $_tile_overlayer_lowered  }
0x9c: {  	s22 =	simm.s32 $0x1BFF;
	s21 =	sshll.u32 s7, $0x1;
	s4 =	sadd.s32 s5, s19  }
0x9d: {  	s8 =	simm.s32 $0x0;
	s20 =	sshll.u32 s6, $0x1;
	s6 =	sadd.s32 s21, s4  }
0x9e: {  	[timem:s8], [sflag:s22] =	dma.local [hbm:s6], s20  }
0x9f: {  	_ =	swait.ge [sflag:s22], s20  }
0xa0: {  	s5 =	ssub.s32 $0x0, s20;
	[sflag:s22] =	ssyncset.done $0x0  }
0xa1: {  	[sflag:s22] =	ssyncadd.s32 s5;
	_ =	sdelay $0x1  }
0xa2: {  	s23 =	simm.s32 $0x1B8B  }
0xa3: {  	_ =	swait.ge [sflag:s23], $0x1  }
0xa4: {  	[sflag:s23] =	ssyncset.done $0x0  }
0xa5: {  	s25 =	simm.s32 $0x1B8E;
	s24 =	sld [smem:$0x3FFE];
	[sflag:s23] =	ssyncadd.s32 $0xFFFFFFFF  }
0xa6: {  	s26 =	simm.s32 $execute0_lowered;
	[smem:$0x3FD2] =	sst s25  }
0xa7: {  	s6 =	sshll.u32 s26, $0x1;
	_ =	strace $0x80000046;
	[dreg:$0x1] =	wrdreg $0xFFFFFFFF  }
0xa8: {  	s28 =	simm.s32 $_size_execute0_lowered;
	s4 =	sadd.s32 s4, s6;
	[dreg:$0x0] =	wrdreg $0x0  }
0xa9: {  	s6 =	sshll.u32 s28, $0x1;
	[dreg:$0x2] =	wrdreg s4  }
0xaa: {  	[dreg:$0x3] =	wrdreg s6  }
0xab: {  	[dreg:$0x4] =	wrdreg $0xC0  }
0xac: {  	_ =	task [dreg:s8], $0x5FFFF  }
0xad: {  	[dreg:$0x1] =	wrdreg $0xFFFFFFFF  }
0xae: {  	[dreg:$0x0] =	wrdreg $0x60  }
0xaf: {  	[dreg:$0x2] =	wrdreg s2  }
0xb0: {  	[dreg:$0x3] =	wrdreg s24  }
0xb1: {  	[dreg:$0x4] =	wrdreg s18  }
0xb2: {  	[dreg:$0x5] =	wrdreg $0x198000  }
0xb3: {  	[dreg:$0x6] =	wrdreg $0x1B1800  }
0xb4: {  	[dreg:$0x7] =	wrdreg $0x9  }
0xb5: {  	_ =	task.clear_ibuf [dreg:s8], $0x8FFFF;
	_ =	strace $0x90000046  }
0xb6: {  	s29 =	simm.s32 $0x9;
	_ =	strace $0x80000048  }
0xb7: {  	_ =	swait.ge [sflag:s29], $0x1  }
0xb8: {  	[sflag:s29] =	ssyncadd.s32 $0xFFFFFFFF  }
0xb9: {  	_ =	strace $0x90000048  }
0xba: {  	_ =	sfence  }
0xbb: {  	s30 =	sld [smem:$0x0];
	_ =	sdelay $0x2  }
0xbc: {  	s31 =	sshll.u32 s1, $0xD;
	s1 =	sshrl.u32 s1, $0x2  }
0xbd: {  	s3 =	sand.u32 $0x4000, s31;
	s1 =	sadd.s32 s1, s30  }
0xbe: {  	s0 =	sor.u32 s3, s0;
	s1 =	sshll.u32 s1, $0x11  }
0xbf: {  	s0 =	sor.u32 s1, s0  }
0xc0: {  	s0 =	sadd.s32 $0x8F2B, s0  }
0xc1: {  	[sflag:s0] =	ssyncadd.remote.s32 $0x1  }
0xc2: {  	_ =	sfence.sel $0xFFFF  }
0xc3: {  	[dreg:$0x0] =	wrdreg $0xFFFFFFFF;
	(pc) =	sbr.abs _section_cstart, $3  }
0xc4: {  	[dreg:$0x1] =	wrdreg $0xFFFFFFFF  }
0xc5: {  	_ =	task.clear_ibuf [dreg:s8], $0x2FFFF;
	_ =	strace $0x9FFFFFFF  }
0xc6: {  	(tm) =	ssettm $0x7FFFFFFF  }
0xc7: {  	_ =	shalt  }
tec
execute0_lowered:
.L_overlay_start_1:
0x0: {  	(tag) =	ssettag $0x1  }
0x1: {  	s0 =	rddreg [dreg:$0x0]  }
0x2: {  	s4 =	rddreg [dreg:$0x1]  }
0x3: {  	s1 =	rddreg [dreg:$0x2]  }
0x4: {  	s2 =	rddreg [dreg:$0x3]  }
0x5: {  	s9 =	rddreg [dreg:$0x4]  }
0x6: {  	[dreg:$0x6] =	wrdreg s1  }
0x7: {  	s3 =	simm.s32 $0x0;
	s5 =	srdreg.scid;
	s1 =	rddreg [dreg:$0x5]  }
0x8: {  	s6 =	stileid.u32;
	s11 =	simm.s32 $0x0;
	[smem:$0x7FF] =	sst s3  }
0x9: {  	s5 =	sand.u32 $0x1, s5;
	s4 =	sadd.s32 $0x400, s4;
	s10 =	sshll.u32 s6, $0xA  }
0xa: {  	p0 =	sne.s32 s6, $0x0;
	s7 =	ssub.s32 $0x2, s5;
	s5 =	sshll.u32 s5, $0x9  }
0xb: {  	_ =	strace $0x80000047;
	s8 =	sshrl.u32 s7, $0x1;
	s5 =	sor.u32 s5, s10  }
0xc: {  	s10 =	simm.s32 $0x1;
	s7 =	ssub.s32 s7, s8;
	s6 =	sadd.s32 s5, s9  }
0xd: {  	s8 =	sshrl.u32 @!p0 s2, $0x3;
	s9 =	sshrl.u32 @!p0 s9, $0x3;
	s7 =	smax.u32 s7, $0x1  }
.LBB2_1:
0xe: {  	s12 =	simm.s32 @!p0 $0x1C02;
	s13 =	simm.s32 @!p0 $0x2  }
0xf: {  	[spmem:s8], [sflag:s12] =	dma.local @!p0 [hbm:s4], $0x3300  }
0x10: {  	_ =	swait.ge @!p0 [sflag:s13], $0x3300  }
0x11: {  	[sflag:s13] =	ssyncset.done @!p0 $0x0  }
0x12: {  	[sflag:s13] =	ssyncadd.s32 @!p0 $0xFFFFCD00  }
0x13: {  	[spmem:s9], [sflag:s12] =	dma.local @!p0 [hbm:s0], $0x800  }
0x14: {  	_ =	swait.ge @!p0 [sflag:s13], $0x800  }
0x15: {  	[sflag:s13] =	ssyncset.done @!p0 $0x0  }
0x16: {  	[sflag:s13] =	ssyncadd.s32 @!p0 $0xFFFFF800  }
0x17: {  	s19 =	simm.s32 $0x2;
	[bflag:$0x0] =	sbarrier.arrive $0xFFFF  }
0x18: {  	[tilespmem:s3], [sflag:$0x2] =	stream.linear.gather [spmem:s2], $0x19800, $0x38;
	[tilespmem:$0x1B580] =	vst v63  }
0x19: {  	_ =	swait.ge [sflag:s19], $0x19800  }
0x1a: {  	[sflag:s19] =	ssyncset.done $0x0  }
0x1b: {  	[sflag:s19] =	ssyncadd.s32 $0xFFFE6800  }
0x1c: {  	[smem:s3], [sflag:$0x2] =	stream.linear.gather [spmem:s6], $0x200, $0x38;
	[tilespmem:$0x1B580] =	vst v63  }
0x1d: {  	_ =	swait.ge [sflag:s19], $0x200  }
0x1e: {  	[sflag:s19] =	ssyncset.done $0x0  }
0x1f: {  	[sflag:s19] =	ssyncadd.s32 $0xFFFFFE00  }
0x20: {  	s20 =	sshrl.u32 s5, $0x3;
	s12 =	sld [smem:$0x0]  }
0x21: {  	s13 =	smul.u32 $0x1800, s20;
	s17 =	rddreg [dreg:$0x6]  }
0x22: {  	s16 =	sand.u32 $0x200, s3;
	s15 =	simm.s32 $0x200;
	s23 =	sld [smem:$0x1]  }
0x23: {  	s13 =	sor.u32 s16, s13;
	s14 =	sshrl.u32 s12, $0x3;
	s12 =	sshll.u32 s12, $0x7  }
0x24: {  	s13 =	sshrl.u32 s13, $0x3;
	s14 =	smul.u32 $0x6000, s14;
	s21 =	sand.u32 $0x380, s12  }
0x25: {  	s12 =	sadd.s32 s17, s13;
	s17 =	simm.s32 $0x400;
	s20 =	sshrl.u32 s23, $0x3  }
0x26: {  	s18 =	sadd.s32 $0x80, s12;
	s24 =	smul.u32 $0x6000, s20;
	s14 =	sshra.s32 s14, $0x2  }
0x27: {  	s25 =	sadd.s32 $0x100, s12;
	s28 =	sadd.s32 $0x180, s12;
	s22 =	sor.u32 s21, s14  }
0x28: {  	[hbm4b:s12+s3] =	stream.linear.scatter [tilespmem:s22], [sflag:$0x1], $0x80, $0x38;
	[tilespmem:$0x1B580] =	vst v63  }
0x29: {  	s30 =	sadd.s32 $0x280, s12;
	s31 =	sadd.s32 $0x10, s12;
	s16 =	sor.u32 $0x400, s22  }
0x2a: {  	[hbm4b:s18+s3] =	stream.linear.scatter [tilespmem:s16], [sflag:$0x1], $0x80, $0x38;
	[tilespmem:$0x1B580] =	vst v63  }
0x2b: {  	s14 =	sshll.u32 s23, $0x7;
	s21 =	sadd.s32 $0x200, s12;
	s19 =	sadd.s32 $0x800, s22  }
0x2c: {  	[hbm4b:s25+s3] =	stream.linear.scatter [tilespmem:s19], [sflag:$0x1], $0x80, $0x38;
	[tilespmem:$0x1B580] =	vst v63  }
0x2d: {  	s23 =	sadd.s32 $0x110, s12;
	s26 =	sadd.s32 $0xC00, s22;
	s29 =	sadd.s32 $0x1000, s22  }
0x2e: {  	[hbm4b:s28+s3] =	stream.linear.scatter [tilespmem:s26], [sflag:$0x1], $0x80, $0x38;
	[tilespmem:$0x1B580] =	vst v63  }
0x2f: {  	s14 =	sand.u32 $0x380, s14;
	s16 =	sshra.s32 s24, $0x2;
	s18 =	sld [smem:$0x2]  }
0x30: {  	[hbm4b:s21+s3] =	stream.linear.scatter [tilespmem:s29], [sflag:$0x1], $0x80, $0x38;
	[tilespmem:$0x1B580] =	vst v63  }
0x31: {  	s13 =	sadd.s32 $0x1400, s22;
	s24 =	sadd.s32 $0x210, s12;
	s14 =	sor.u32 s14, s16  }
0x32: {  	[hbm4b:s30+s3] =	stream.linear.scatter [tilespmem:s13], [sflag:$0x1], $0x80, $0x38;
	[tilespmem:$0x1B580] =	vst v63  }
0x33: {  	s19 =	sadd.s32 $0x90, s12;
	s22 =	sor.u32 $0x400, s14;
	s25 =	sadd.s32 $0x800, s14  }
0x34: {  	[hbm4b:s31+s3] =	stream.linear.scatter [tilespmem:s14], [sflag:$0x1], $0x80, $0x38;
	[tilespmem:$0x1B580] =	vst v63  }
0x35: {  	s26 =	sadd.s32 $0x190, s12;
	s28 =	sadd.s32 $0xC00, s14;
	s21 =	sshrl.u32 s18, $0x3  }
0x36: {  	[hbm4b:s19+s3] =	stream.linear.scatter [tilespmem:s22], [sflag:$0x1], $0x80, $0x38;
	[tilespmem:$0x1B580] =	vst v63  }
0x37: {  	s29 =	sadd.s32 $0x1000, s14;
	s18 =	sshll.u32 s18, $0x7;
	s16 =	smul.u32 $0x6000, s21  }
0x38: {  	[hbm4b:s23+s3] =	stream.linear.scatter [tilespmem:s25], [sflag:$0x1], $0x80, $0x38;
	[tilespmem:$0x1B580] =	vst v63  }
0x39: {  	s30 =	sadd.s32 $0x290, s12;
	s18 =	sand.u32 $0x380, s18;
	s16 =	sshra.s32 s16, $0x2  }
0x3a: {  	[hbm4b:s26+s3] =	stream.linear.scatter [tilespmem:s28], [sflag:$0x1], $0x80, $0x38;
	[tilespmem:$0x1B580] =	vst v63  }
0x3b: {  	s14 =	sadd.s32 $0x1400, s14;
	s21 =	sadd.s32 $0xA0, s12;
	s31 =	sor.u32 s18, s16  }
0x3c: {  	[hbm4b:s24+s3] =	stream.linear.scatter [tilespmem:s29], [sflag:$0x1], $0x80, $0x38;
	[tilespmem:$0x1B580] =	vst v63  }
0x3d: {  	s18 =	sadd.s32 $0x20, s12;
	s20 =	sor.u32 $0x400, s31;
	s22 =	sadd.s32 $0x800, s31  }
0x3e: {  	[hbm4b:s30+s3] =	stream.linear.scatter [tilespmem:s14], [sflag:$0x1], $0x80, $0x38;
	[tilespmem:$0x1B580] =	vst v63  }
0x3f: {  	s23 =	sadd.s32 $0xC00, s31;
	s25 =	sadd.s32 $0x120, s12;
	s19 =	sld [smem:$0x3]  }
0x40: {  	[hbm4b:s18+s3] =	stream.linear.scatter [tilespmem:s31], [sflag:$0x1], $0x80, $0x38;
	[tilespmem:$0x1B580] =	vst v63  }
0x41: {  	s13 =	sadd.s32 $0x1400, s31;
	s28 =	sadd.s32 $0x1A0, s12;
	s24 =	sadd.s32 $0x220, s12  }
0x42: {  	[hbm4b:s21+s3] =	stream.linear.scatter [tilespmem:s20], [sflag:$0x1], $0x80, $0x38;
	[tilespmem:$0x1B580] =	vst v63  }
0x43: {  	s29 =	sadd.s32 $0x1000, s31;
	s14 =	sadd.s32 $0x4, s5;
	s26 =	sshrl.u32 s19, $0x3  }
0x44: {  	[hbm4b:s25+s3] =	stream.linear.scatter [tilespmem:s22], [sflag:$0x1], $0x80, $0x38;
	[tilespmem:$0x1B580] =	vst v63  }
0x45: {  	s31 =	sadd.s32 $0x2A0, s12;
	s19 =	sshll.u32 s19, $0x7;
	s18 =	smul.u32 $0x6000, s26  }
0x46: {  	[hbm4b:s28+s3] =	stream.linear.scatter [tilespmem:s23], [sflag:$0x1], $0x80, $0x38;
	[tilespmem:$0x1B580] =	vst v63  }
0x47: {  	s30 =	sand.u32 $0x380, s19;
	s22 =	sshrl.u32 s14, $0x3;
	s18 =	sshra.s32 s18, $0x2  }
0x48: {  	[hbm4b:s24+s3] =	stream.linear.scatter [tilespmem:s29], [sflag:$0x1], $0x80, $0x38;
	[tilespmem:$0x1B580] =	vst v63  }
0x49: {  	s19 =	sand.u32 $0x200, s15;
	s23 =	sadd.s32 $0x30, s12;
	s18 =	sor.u32 s30, s18  }
0x4a: {  	[hbm4b:s31+s3] =	stream.linear.scatter [tilespmem:s13], [sflag:$0x1], $0x80, $0x38;
	[tilespmem:$0x1B580] =	vst v63  }
0x4b: {  	s20 =	sor.u32 $0x400, s18;
	s21 =	sadd.s32 $0x800, s18;
	s13 =	simm.s32 $0x6  }
.LBB2_2:
0x4c: {  	[hbm4b:s23+s3] =	stream.linear.scatter [tilespmem:s18], [sflag:$0x1], $0x80, $0x38;
	[tilespmem:$0x1B580] =	vst v63  }
0x4d: {  	s15 =	smov.u32 s17  }
0x4e: {  	s16 =	sld [smem:s13+$0xFFFFFFFE];
	s29 =	sadd.s32 $0xB0, s12;
	s24 =	sadd.s32 $0xC00, s18  }
0x4f: {  	s30 =	smul.u32 $0x1800, s22;
	s31 =	sadd.s32 $0x130, s12;
	s23 =	sadd.s32 $0x1000, s18  }
0x50: {  	s26 =	sadd.s32 $0x1B0, s12;
	p1 =	sne.s32 s17, $0xFE00;
	s14 =	sadd.s32 $0x4, s14  }
0x51: {  	[hbm4b:s29+s3] =	stream.linear.scatter [tilespmem:s20], [sflag:$0x1], $0x80, $0x38;
	[tilespmem:$0x1B580] =	vst v63  }
0x52: {  	s19 =	sor.u32 s19, s30;
	s29 =	sadd.s32 $0x1400, s18;
	s30 =	sadd.s32 $0x230, s12  }
0x53: {  	s25 =	sshrl.u32 s16, $0x3;
	s28 =	sshll.u32 s16, $0x7;
	s16 =	sadd.s32 $0x200, s17  }
0x54: {  	[hbm4b:s31+s3] =	stream.linear.scatter [tilespmem:s21], [sflag:$0x1], $0x80, $0x38;
	[tilespmem:$0x1B580] =	vst v63  }
0x55: {  	s19 =	sshrl.u32 s19, $0x3;
	s20 =	smul.u32 $0x6000, s25;
	s31 =	sadd.s32 $0x2B0, s12  }
0x56: {  	[hbm4b:s26+s3] =	stream.linear.scatter [tilespmem:s24], [sflag:$0x1], $0x80, $0x38;
	[tilespmem:$0x1B580] =	vst v63  }
0x57: {  	s25 =	sand.u32 $0x380, s28;
	s24 =	rddreg [dreg:$0x6];
	s20 =	sshra.s32 s20, $0x2  }
0x58: {  	s26 =	sld [smem:s13+$0xFFFFFFFF];
	s12 =	sadd.s32 s24, s19;
	s17 =	sor.u32 s25, s20  }
0x59: {  	[hbm4b:s30+s3] =	stream.linear.scatter [tilespmem:s23], [sflag:$0x1], $0x80, $0x38;
	[tilespmem:$0x1B580] =	vst v63  }
0x5a: {  	s28 =	sor.u32 $0x400, s17;
	s21 =	sadd.s32 $0x800, s17;
	s22 =	sadd.s32 $0x100, s12  }
0x5b: {  	[hbm4b:s31+s3] =	stream.linear.scatter [tilespmem:s29], [sflag:$0x1], $0x80, $0x38;
	[tilespmem:$0x1B580] =	vst v63  }
0x5c: {  	s23 =	sadd.s32 $0xC00, s17;
	s24 =	sadd.s32 $0x180, s12;
	s25 =	sadd.s32 $0x1000, s17  }
0x5d: {  	[hbm4b:s12+s3] =	stream.linear.scatter [tilespmem:s17], [sflag:$0x1], $0x80, $0x38;
	[tilespmem:$0x1B580] =	vst v63  }
0x5e: {  	s20 =	sadd.s32 $0x1A0, s12;
	s30 =	sshrl.u32 s26, $0x3;
	s29 =	sadd.s32 $0x80, s12  }
0x5f: {  	[hbm4b:s29+s3] =	stream.linear.scatter [tilespmem:s28], [sflag:$0x1], $0x80, $0x38;
	[tilespmem:$0x1B580] =	vst v63  }
0x60: {  	s18 =	sshll.u32 s26, $0x7;
	s26 =	sadd.s32 $0x200, s12;
	s31 =	smul.u32 $0x6000, s30  }
0x61: {  	[hbm4b:s22+s3] =	stream.linear.scatter [tilespmem:s21], [sflag:$0x1], $0x80, $0x38;
	[tilespmem:$0x1B580] =	vst v63  }
0x62: {  	s30 =	sadd.s32 $0x10, s12;
	s18 =	sand.u32 $0x380, s18;
	s29 =	sld [smem:s13+$0x0]  }
0x63: {  	[hbm4b:s24+s3] =	stream.linear.scatter [tilespmem:s23], [sflag:$0x1], $0x80, $0x38;
	[tilespmem:$0x1B580] =	vst v63  }
0x64: {  	s19 =	sshra.s32 s31, $0x2;
	s17 =	sadd.s32 $0x1400, s17;
	s31 =	sadd.s32 $0x90, s12  }
0x65: {  	[hbm4b:s26+s3] =	stream.linear.scatter [tilespmem:s25], [sflag:$0x1], $0x80, $0x38;
	[tilespmem:$0x1B580] =	vst v63  }
0x66: {  	s28 =	sadd.s32 $0x280, s12;
	s22 =	sshrl.u32 s29, $0x3;
	s24 =	sshll.u32 s29, $0x7  }
0x67: {  	[hbm4b:s28+s3] =	stream.linear.scatter [tilespmem:s17], [sflag:$0x1], $0x80, $0x38;
	[tilespmem:$0x1B580] =	vst v63  }
0x68: {  	s23 =	sadd.s32 $0x220, s12;
	s26 =	sadd.s32 $0x110, s12;
	s17 =	sor.u32 s18, s19  }
0x69: {  	[hbm4b:s30+s3] =	stream.linear.scatter [tilespmem:s17], [sflag:$0x1], $0x80, $0x38;
	[tilespmem:$0x1B580] =	vst v63  }
0x6a: {  	s28 =	sadd.s32 $0x210, s12;
	s18 =	smul.u32 $0x6000, s22;
	s25 =	sor.u32 $0x400, s17  }
0x6b: {  	[hbm4b:s31+s3] =	stream.linear.scatter [tilespmem:s25], [sflag:$0x1], $0x80, $0x38;
	[tilespmem:$0x1B580] =	vst v63  }
0x6c: {  	s19 =	sand.u32 $0x380, s24;
	s24 =	sadd.s32 $0x290, s12;
	s29 =	sadd.s32 $0x800, s17  }
0x6d: {  	[hbm4b:s26+s3] =	stream.linear.scatter [tilespmem:s29], [sflag:$0x1], $0x80, $0x38;
	[tilespmem:$0x1B580] =	vst v63  }
0x6e: {  	s30 =	sadd.s32 $0x190, s12;
	s18 =	sshra.s32 s18, $0x2;
	s31 =	sadd.s32 $0xC00, s17  }
0x6f: {  	[hbm4b:s30+s3] =	stream.linear.scatter [tilespmem:s31], [sflag:$0x1], $0x80, $0x38;
	[tilespmem:$0x1B580] =	vst v63  }
0x70: {  	s22 =	sadd.s32 $0x1000, s17;
	s18 =	sor.u32 s19, s18;
	s17 =	sadd.s32 $0x1400, s17  }
0x71: {  	[hbm4b:s28+s3] =	stream.linear.scatter [tilespmem:s22], [sflag:$0x1], $0x80, $0x38;
	[tilespmem:$0x1B580] =	vst v63  }
0x72: {  	s25 =	sadd.s32 $0x20, s12;
	s19 =	sadd.s32 $0xC00, s18;
	s30 =	sld [smem:s13+$0x1]  }
0x73: {  	[hbm4b:s24+s3] =	stream.linear.scatter [tilespmem:s17], [sflag:$0x1], $0x80, $0x38;
	[tilespmem:$0x1B580] =	vst v63  }
0x74: {  	s26 =	sor.u32 $0x400, s18;
	s29 =	sadd.s32 $0x800, s18;
	s31 =	sadd.s32 $0x120, s12  }
0x75: {  	[hbm4b:s25+s3] =	stream.linear.scatter [tilespmem:s18], [sflag:$0x1], $0x80, $0x38;
	[tilespmem:$0x1B580] =	vst v63  }
0x76: {  	s13 =	sadd.s32 $0x4, s13;
	s28 =	sadd.s32 $0xA0, s12;
	s25 =	sshrl.u32 s30, $0x3  }
0x77: {  	[hbm4b:s28+s3] =	stream.linear.scatter [tilespmem:s26], [sflag:$0x1], $0x80, $0x38;
	[tilespmem:$0x1B580] =	vst v63  }
0x78: {  	s22 =	sshll.u32 s30, $0x7;
	s17 =	smov.u32 s16;
	s25 =	smul.u32 $0x6000, s25  }
0x79: {  	[hbm4b:s31+s3] =	stream.linear.scatter [tilespmem:s29], [sflag:$0x1], $0x80, $0x38;
	[tilespmem:$0x1B580] =	vst v63  }
0x7a: {  	s26 =	sadd.s32 $0x1000, s18;
	s30 =	sshra.s32 s25, $0x2;
	s29 =	sand.u32 $0x380, s22  }
0x7b: {  	[hbm4b:s20+s3] =	stream.linear.scatter [tilespmem:s19], [sflag:$0x1], $0x80, $0x38;
	[tilespmem:$0x1B580] =	vst v63  }
.Ltmp0:
0x7c: {  	s28 =	sadd.s32 $0x1400, s18;
	s18 =	sor.u32 s29, s30;
	(pc) =	sbr.rel @p1 .LBB2_2-.Ltmp0, $4  }
0x7d: {  	s31 =	sadd.s32 $0x2A0, s12;
	s22 =	sshrl.u32 s14, $0x3;
	s20 =	sor.u32 $0x400, s18  }
0x7e: {  	[hbm4b:s23+s3] =	stream.linear.scatter [tilespmem:s26], [sflag:$0x1], $0x80, $0x38;
	[tilespmem:$0x1B580] =	vst v63  }
0x7f: {  	s19 =	sand.u32 $0x200, s15;
	s21 =	sadd.s32 $0x800, s18;
	s23 =	sadd.s32 $0x30, s12  }
0x80: {  	[hbm4b:s31+s3] =	stream.linear.scatter [tilespmem:s28], [sflag:$0x1], $0x80, $0x38;
	[tilespmem:$0x1B580] =	vst v63  }
0x81: {  	[hbm4b:s23+s3] =	stream.linear.scatter [tilespmem:s18], [sflag:$0x1], $0x80, $0x38;
	[tilespmem:$0x1B580] =	vst v63  }
0x82: {  	s14 =	sld [smem:s13+$0xFFFFFFFE]  }
0x83: {  	s15 =	sadd.s32 $0xB0, s12;
	s16 =	sadd.s32 $0xC00, s18;
	s23 =	smul.u32 $0x1800, s22  }
0x84: {  	s17 =	sadd.s32 $0x130, s12;
	s24 =	sadd.s32 $0x1000, s18;
	s26 =	sadd.s32 $0x1B0, s12  }
0x85: {  	[hbm4b:s15+s3] =	stream.linear.scatter [tilespmem:s20], [sflag:$0x1], $0x80, $0x38;
	[tilespmem:$0x1B580] =	vst v63  }
0x86: {  	s28 =	sadd.s32 $0x1400, s18;
	s29 =	sadd.s32 $0x230, s12;
	s31 =	rddreg [dreg:$0x6]  }
0x87: {  	[hbm4b:s17+s3] =	stream.linear.scatter [tilespmem:s21], [sflag:$0x1], $0x80, $0x38;
	[tilespmem:$0x1B580] =	vst v63  }
0x88: {  	s30 =	sadd.s32 $0x2B0, s12;
	s22 =	sld [smem:s13+$0xFFFFFFFF];
	s25 =	sshrl.u32 s14, $0x3  }
0x89: {  	[hbm4b:s26+s3] =	stream.linear.scatter [tilespmem:s16], [sflag:$0x1], $0x80, $0x38;
	[tilespmem:$0x1B580] =	vst v63  }
0x8a: {  	s15 =	sor.u32 s19, s23;
	s14 =	sshll.u32 s14, $0x7;
	s17 =	smul.u32 $0x6000, s25  }
0x8b: {  	[hbm4b:s29+s3] =	stream.linear.scatter [tilespmem:s24], [sflag:$0x1], $0x80, $0x38;
	[tilespmem:$0x1B580] =	vst v63  }
0x8c: {  	s15 =	sshrl.u32 s15, $0x3;
	s14 =	sand.u32 $0x380, s14;
	s21 =	sshra.s32 s17, $0x2  }
0x8d: {  	[hbm4b:s30+s3] =	stream.linear.scatter [tilespmem:s28], [sflag:$0x1], $0x80, $0x38;
	[tilespmem:$0x1B580] =	vst v63  }
0x8e: {  	s20 =	sld [smem:s13+$0x0];
	s12 =	sadd.s32 s31, s15;
	s14 =	sor.u32 s14, s21  }
0x8f: {  	[hbm4b:s12+s3] =	stream.linear.scatter [tilespmem:s14], [sflag:$0x1], $0x80, $0x38;
	[tilespmem:$0x1B580] =	vst v63  }
0x90: {  	s25 =	sshrl.u32 s22, $0x3;
	s23 =	sadd.s32 $0x80, s12;
	s16 =	sor.u32 $0x400, s14  }
0x91: {  	[hbm4b:s23+s3] =	stream.linear.scatter [tilespmem:s16], [sflag:$0x1], $0x80, $0x38;
	[tilespmem:$0x1B580] =	vst v63  }
0x92: {  	s15 =	sshll.u32 s22, $0x7;
	s24 =	sadd.s32 $0x800, s14;
	s28 =	sadd.s32 $0x100, s12  }
0x93: {  	[hbm4b:s28+s3] =	stream.linear.scatter [tilespmem:s24], [sflag:$0x1], $0x80, $0x38;
	[tilespmem:$0x1B580] =	vst v63  }
0x94: {  	s18 =	sadd.s32 $0x200, s12;
	s29 =	sadd.s32 $0xC00, s14;
	s30 =	sadd.s32 $0x180, s12  }
0x95: {  	[hbm4b:s30+s3] =	stream.linear.scatter [tilespmem:s29], [sflag:$0x1], $0x80, $0x38;
	[tilespmem:$0x1B580] =	vst v63  }
0x96: {  	s19 =	sadd.s32 $0x280, s12;
	s26 =	smul.u32 $0x6000, s25;
	s31 =	sadd.s32 $0x1000, s14  }
0x97: {  	[hbm4b:s18+s3] =	stream.linear.scatter [tilespmem:s31], [sflag:$0x1], $0x80, $0x38;
	[tilespmem:$0x1B580] =	vst v63  }
0x98: {  	s15 =	sand.u32 $0x380, s15;
	s14 =	sadd.s32 $0x1400, s14;
	s16 =	sshra.s32 s26, $0x2  }
0x99: {  	[hbm4b:s19+s3] =	stream.linear.scatter [tilespmem:s14], [sflag:$0x1], $0x80, $0x38;
	[tilespmem:$0x1B580] =	vst v63  }
0x9a: {  	s21 =	sadd.s32 $0x10, s12;
	s15 =	sor.u32 s15, s16  }
0x9b: {  	[hbm4b:s21+s3] =	stream.linear.scatter [tilespmem:s15], [sflag:$0x1], $0x80, $0x38;
	[tilespmem:$0x1B580] =	vst v63  }
0x9c: {  	s22 =	sadd.s32 $0x90, s12;
	s23 =	sshrl.u32 s20, $0x3;
	s25 =	sor.u32 $0x400, s15  }
0x9d: {  	[hbm4b:s22+s3] =	stream.linear.scatter [tilespmem:s25], [sflag:$0x1], $0x80, $0x38;
	[tilespmem:$0x1B580] =	vst v63  }
0x9e: {  	s26 =	sadd.s32 $0x110, s12;
	s24 =	sshll.u32 s20, $0x7;
	s29 =	sadd.s32 $0x800, s15  }
0x9f: {  	[hbm4b:s26+s3] =	stream.linear.scatter [tilespmem:s29], [sflag:$0x1], $0x80, $0x38;
	[tilespmem:$0x1B580] =	vst v63  }
0xa0: {  	s28 =	sadd.s32 $0x210, s12;
	s30 =	sadd.s32 $0x190, s12;
	s31 =	sadd.s32 $0xC00, s15  }
0xa1: {  	[hbm4b:s30+s3] =	stream.linear.scatter [tilespmem:s31], [sflag:$0x1], $0x80, $0x38;
	[tilespmem:$0x1B580] =	vst v63  }
0xa2: {  	s20 =	sadd.s32 $0x1000, s15;
	s16 =	sand.u32 $0x380, s24;
	s14 =	smul.u32 $0x6000, s23  }
0xa3: {  	[hbm4b:s28+s3] =	stream.linear.scatter [tilespmem:s20], [sflag:$0x1], $0x80, $0x38;
	[tilespmem:$0x1B580] =	vst v63  }
0xa4: {  	s14 =	sshra.s32 s14, $0x2;
	s21 =	sadd.s32 $0x290, s12;
	s15 =	sadd.s32 $0x1400, s15  }
0xa5: {  	[hbm4b:s21+s3] =	stream.linear.scatter [tilespmem:s15], [sflag:$0x1], $0x80, $0x38;
	[tilespmem:$0x1B580] =	vst v63  }
0xa6: {  	s23 =	sadd.s32 $0xA0, s12;
	s14 =	sor.u32 s16, s14;
	s22 =	sadd.s32 $0x20, s12  }
0xa7: {  	[hbm4b:s22+s3] =	stream.linear.scatter [tilespmem:s14], [sflag:$0x1], $0x80, $0x38;
	[tilespmem:$0x1B580] =	vst v63  }
0xa8: {  	s16 =	sor.u32 $0x400, s14;
	s24 =	sadd.s32 $0x800, s14;
	s25 =	sld [smem:s13+$0x1]  }
0xa9: {  	[hbm4b:s23+s3] =	stream.linear.scatter [tilespmem:s16], [sflag:$0x1], $0x80, $0x38;
	[tilespmem:$0x1B580] =	vst v63  }
0xaa: {  	s19 =	sadd.s32 $0x1000, s14;
	s26 =	sadd.s32 $0xC00, s14;
	s29 =	sadd.s32 $0x120, s12  }
0xab: {  	[hbm4b:s29+s3] =	stream.linear.scatter [tilespmem:s24], [sflag:$0x1], $0x80, $0x38;
	[tilespmem:$0x1B580] =	vst v63  }
0xac: {  	s13 =	sshll.u32 s25, $0x7;
	s30 =	sshrl.u32 s25, $0x3;
	s31 =	sadd.s32 $0x1A0, s12  }
0xad: {  	[hbm4b:s31+s3] =	stream.linear.scatter [tilespmem:s26], [sflag:$0x1], $0x80, $0x38;
	[tilespmem:$0x1B580] =	vst v63  }
0xae: {  	s13 =	sand.u32 $0x380, s13;
	s17 =	smul.u32 $0x6000, s30;
	s28 =	sadd.s32 $0x220, s12  }
0xaf: {  	[hbm4b:s28+s3] =	stream.linear.scatter [tilespmem:s19], [sflag:$0x1], $0x80, $0x38;
	[tilespmem:$0x1B580] =	vst v63  }
0xb0: {  	s20 =	sshra.s32 s17, $0x2;
	s21 =	sadd.s32 $0x2A0, s12;
	s14 =	sadd.s32 $0x1400, s14  }
0xb1: {  	[hbm4b:s21+s3] =	stream.linear.scatter [tilespmem:s14], [sflag:$0x1], $0x80, $0x38;
	[tilespmem:$0x1B580] =	vst v63  }
0xb2: {  	s13 =	sor.u32 s13, s20;
	s22 =	sadd.s32 $0x30, s12  }
0xb3: {  	[hbm4b:s22+s3] =	stream.linear.scatter [tilespmem:s13], [sflag:$0x1], $0x80, $0x38;
	[tilespmem:$0x1B580] =	vst v63  }
0xb4: {  	s23 =	sor.u32 $0x400, s13;
	s24 =	sadd.s32 $0xB0, s12  }
0xb5: {  	[hbm4b:s24+s3] =	stream.linear.scatter [tilespmem:s23], [sflag:$0x1], $0x80, $0x38;
	[tilespmem:$0x1B580] =	vst v63  }
0xb6: {  	s25 =	sadd.s32 $0x800, s13;
	s26 =	sadd.s32 $0x130, s12  }
0xb7: {  	[hbm4b:s26+s3] =	stream.linear.scatter [tilespmem:s25], [sflag:$0x1], $0x80, $0x38;
	[tilespmem:$0x1B580] =	vst v63  }
0xb8: {  	s29 =	sadd.s32 $0x1B0, s12;
	s28 =	sadd.s32 $0xC00, s13  }
0xb9: {  	[hbm4b:s29+s3] =	stream.linear.scatter [tilespmem:s28], [sflag:$0x1], $0x80, $0x38;
	[tilespmem:$0x1B580] =	vst v63  }
0xba: {  	s30 =	sadd.s32 $0x1000, s13;
	s31 =	sadd.s32 $0x230, s12  }
0xbb: {  	[hbm4b:s31+s3] =	stream.linear.scatter [tilespmem:s30], [sflag:$0x1], $0x80, $0x38;
	[tilespmem:$0x1B580] =	vst v63  }
0xbc: {  	s12 =	sadd.s32 $0x2B0, s12;
	s13 =	sadd.s32 $0x1400, s13  }
0xbd: {  	[hbm4b:s12+s3] =	stream.linear.scatter [tilespmem:s13], [sflag:$0x1], $0x80, $0x38;
	[tilespmem:$0x1B580] =	vst v63  }
0xbe: {  	_ =	swait.ge [sflag:s10], $0x18000  }
0xbf: {  	[sflag:s10] =	ssyncset.done $0x0  }
0xc0: {  	[sflag:s10] =	ssyncadd.s32 $0xFFFE8000  }
0xc1: {  	_ =	swait.ge [sflag:s10], $0x18000  }
0xc2: {  	[sflag:s10] =	ssyncset.done $0x0  }
0xc3: {  	s11 =	sadd.s32 $0x1, s11;
	[sflag:s10] =	ssyncadd.s32 $0xFFFE8000  }
0xc4: {  	p1 =	sne.s32 s11, s7;
	_ =	swait.ge [sflag:s10], $0x18000  }
.Ltmp1:
0xc5: {  	[sflag:s10] =	ssyncset.done $0x0;
	(pc) =	sbr.rel @p1 .LBB2_1-.Ltmp1, $4  }
0xc6: {  	[sflag:s10] =	ssyncadd.s32 $0xFFFE8000  }
0xc7: {  	_ =	swait.ge [sflag:s10], $0x18000  }
0xc8: {  	[sflag:s10] =	ssyncset.done $0x0  }
0xc9: {  	[sflag:s10] =	ssyncadd.s32 $0xFFFE8000  }
0xca: {  	_ =	sfence.sel $0x180000  }
0xcb: {  	[bflag:$0x0] =	sbarrier.arrive $0xFFFF  }
0xcc: {  	_ =	strace $0x90000047  }
0xcd: {  	s0 =	sadd.s32 @!p0 $0x100000, s1;
	[bflag:$0x2] =	sbarrier.arrive $0xFFFF  }
0xce: {  	[sflag:s0] =	ssyncadd.tile.s32 @!p0 $0x1;
	_ =	shalt  }
.Lfunc_end2:
_tile_overlayer_lowered:
.L_overlay_start_2:
0xcf: {  	(tag) =	ssettag $0x2  }
0xd0: {  	s0 =	rddreg [dreg:$0x0];
	s2 =	stileid.u32  }
0xd1: {  	s1 =	rddreg [dreg:$0x1];
	p0 =	sne.s32 s2, $0x0  }
0xd2: {  	s3 =	rddreg [dreg:$0x2];
	[bflag:$0x3] =	sbarrier.arrive $0xFFFF;
	s2 =	simm.s32 @!p0 $0x1C02  }
0xd3: {  	[timem:s3], [sflag:s2] =	dma.local @!p0 [hbm:s0], s1  }
0xd4: {  	s0 =	simm.s32 @!p0 $0x2  }
0xd5: {  	_ =	swait.ge @!p0 [sflag:s0], s1  }
0xd6: {  	s1 =	ssub.s32 @!p0 $0x0, s1;
	[sflag:s0] =	ssyncset.done @!p0 $0x0  }
0xd7: {  	[sflag:s0] =	ssyncadd.s32 @!p0 s1  }
0xd8: {  	[bflag:$0x3] =	sbarrier.arrive $0xFFFF  }
0xd9: {  	_ =	shalt  }

</sc_bundles>
